<compile_context>
chip_gen: v7x
topology: tpu7x:2x2x1
jax: 0.10.2.dev20260603
libtpu: 0.0.44.dev20260713+nightly
codegen_flags: <defaults>
</compile_context>

<pallas_src>
import functools

import jax
import jax.numpy as jnp
from jax import lax
from jax.experimental import pallas as pl
from jax.experimental.pallas import tpu as pltpu
from jax.experimental.pallas import tpu_sc as plsc

NUM_EXPERTS = 64
TOP_K = 2
BALANCE_COEFF = 0.01
Z_COEFF = 0.001
BLOCK_TOKENS = 8192

_SC_INFO = plsc.get_sparse_core_info()
_NC = _SC_INFO.num_cores
_NS = _SC_INFO.num_subcores
_L = _SC_INFO.num_lanes
_NW = _NC * _NS
_SLOTS = 128


def _sc_hist(packed_hbm, part_hbm, c0_v, e1_v, src_v, zer_v, shared_v):
    cid = lax.axis_index("c")
    sid = lax.axis_index("s")
    wid = sid * _NC + cid
    per_w = packed_hbm.shape[0] // _NW
    base = wid * per_w

    pltpu.sync_copy(packed_hbm.at[pl.ds(base, per_w)], c0_v)

    sink = jnp.full((_L,), NUM_EXPERTS, jnp.int32)
    ones16 = jnp.ones((_L,), jnp.float32)
    zero16 = jnp.zeros((_L,), jnp.float32)

    def body(j, carry):
        v = c0_v[pl.ds(j * _L, _L)]
        v0 = v >> 6
        v1 = v & 63
        c0_v[pl.ds(j * _L, _L)] = v0
        e1_v[pl.ds(j * _L, _L)] = jnp.where(v1 != v0, v1, sink)
        src_v[pl.ds(j * _L, _L)] = ones16
        return carry

    lax.fori_loop(0, per_w // _L, body, 0)

    for r in range(_SLOTS // _L):
        zer_v[pl.ds(r * _L, _L)] = zero16

    @pl.when(sid == 0)
    def _zero_shared():
        pltpu.sync_copy(zer_v, shared_v)

    plsc.subcore_barrier()
    pltpu.sync_copy(src_v, shared_v.at[c0_v], add=True)
    pltpu.sync_copy(src_v, shared_v.at[e1_v], add=True)
    plsc.subcore_barrier()

    @pl.when(sid == 0)
    def _writeout():
        pltpu.sync_copy(shared_v, part_hbm.at[pl.ds(cid * _SLOTS, _SLOTS)])


def _tc_body(probs_ref, logits_ref, part_ref, out_ref, acc_imp, acc_z):
    i = pl.program_id(0)
    nb = pl.num_programs(0)

    @pl.when(i == 0)
    def _init():
        acc_imp[...] = jnp.zeros_like(acc_imp)
        acc_z[0, 0] = 0.0

    acc_imp[...] += jnp.sum(probs_ref[...], axis=0, keepdims=True)

    x = logits_ref[...]
    e = jnp.exp(x)
    ones_col = jnp.ones((NUM_EXPERTS, 8), jnp.float32)
    s = lax.dot_general(e, ones_col, (((1,), (0,)), ((), ())),
                        preferred_element_type=jnp.float32)
    lse = jnp.log(s[:, 0:1])
    acc_z[0, 0] += jnp.sum(lse * lse)

    @pl.when(i == nb - 1)
    def _fin():
        b = nb * BLOCK_TOKENS
        pr = part_ref[...]
        cnt = pr[0:1, 0:NUM_EXPERTS] + pr[0:1, _SLOTS:_SLOTS + NUM_EXPERTS]
        bal = jnp.sum(acc_imp[...] * cnt)
        out_ref[0, 0] = (BALANCE_COEFF * (NUM_EXPERTS / (b * b)) * bal
                         + Z_COEFF * acc_z[0, 0] / b)


def kernel(router_probs, router_logits, expert_indices):
    b = router_probs.shape[0]
    idx = expert_indices.astype(jnp.int32)
    packed = jnp.zeros((b,), jnp.int32)

    sc_fn = functools.partial(
        pl.kernel,
        mesh=plsc.VectorSubcoreMesh(core_axis_name="c", subcore_axis_name="s"),
        out_type=jax.ShapeDtypeStruct((_NC * _SLOTS,), jnp.float32),
        scratch_types=[
            pltpu.VMEM((b // _NW,), jnp.int32),
            pltpu.VMEM((b // _NW,), jnp.int32),
            pltpu.VMEM((b // _NW,), jnp.float32),
            pltpu.VMEM((_SLOTS,), jnp.float32),
            pltpu.VMEM_SHARED((_SLOTS,), jnp.float32),
        ],
    )(_sc_hist)
    partials = sc_fn(packed).reshape(1, _NC * _SLOTS)

    nb = b // BLOCK_TOKENS
    out = pl.pallas_call(
        _tc_body,
        grid=(nb,),
        in_specs=[
            pl.BlockSpec((BLOCK_TOKENS, NUM_EXPERTS), lambda i: (i, 0)),
            pl.BlockSpec((BLOCK_TOKENS, NUM_EXPERTS), lambda i: (i, 0)),
            pl.BlockSpec((1, _NC * _SLOTS), lambda i: (0, 0)),
        ],
        out_specs=pl.BlockSpec(memory_space=pltpu.SMEM),
        out_shape=jax.ShapeDtypeStruct((1, 1), jnp.float32),
        scratch_shapes=[
            pltpu.VMEM((1, NUM_EXPERTS), jnp.float32),
            pltpu.SMEM((1, 1), jnp.float32),
        ],
        compiler_params=pltpu.CompilerParams(
            dimension_semantics=("arbitrary",)),
    )(router_probs, router_logits, partials)
    return out[0, 0]

# --- scband reference (transcript-rebuilt; emitter-appended) ---
"""Pipeline reference for scband-mo-eloss-10909216932606 (READ-ONLY COPY).

The authoritative reference and input builder live on the scoring server;
editing this copy changes nothing except your own understanding.
"""

import jax, jax.numpy as jnp
import numpy as np

NUM_EXPERTS = 64
TOP_K = 2
BALANCE_COEFF = 0.01
Z_COEFF = 0.001
N_TOKENS = 32768


def setup_inputs(seed: int = 0) -> dict:
    key = jax.random.key(seed)
    k1, k2, k3 = jax.random.split(key, 3)
    router_probs = jax.random.uniform(k1, (N_TOKENS, NUM_EXPERTS), dtype=jnp.float32)
    router_logits = jax.random.normal(k2, (N_TOKENS, NUM_EXPERTS), dtype=jnp.float32)
    expert_indices = jax.random.randint(k3, (N_TOKENS, TOP_K), 0, NUM_EXPERTS, dtype=jnp.int64 if jax.config.jax_enable_x64 else jnp.int32)
    return {"router_probs": router_probs, "router_logits": router_logits, "expert_indices": expert_indices}


def reference(router_probs, router_logits, expert_indices):
    B = router_probs.shape[0]
    importance = router_probs.mean(axis=0)
    usage_mask = jnp.zeros_like(router_probs)
    rows = jnp.arange(B)
    for k in range(TOP_K):
        usage_mask = usage_mask.at[rows, expert_indices[:, k]].set(1.0)
    usage = usage_mask.mean(axis=0)
    balance_loss = NUM_EXPERTS * jnp.sum(importance * jax.lax.stop_gradient(usage))
    z_loss = jnp.mean(jax.scipy.special.logsumexp(router_logits, axis=1) ** 2)
    return BALANCE_COEFF * balance_loss + Z_COEFF * z_loss

if __name__ == "__main__":
    import jax
    _d = setup_inputs()
    print(jax.jit(kernel)(*tuple(_d.values())))

</pallas_src>

<mosaic_0001>
#map = affine_map<(d0, d1) -> (0)>
module attributes {stable_mosaic.version = 14 : i64} {
  func.func @_sc_hist(%arg0: i32, %arg1: i32, %arg2: memref<32768xi32, #tpu.memory_space<hbm>>, %arg3: memref<256xf32, #tpu.memory_space<hbm>>, %arg4: memref<1024xi32, #tpu.memory_space<vmem>>, %arg5: memref<1024xi32, #tpu.memory_space<vmem>>, %arg6: memref<1024xf32, #tpu.memory_space<vmem>>, %arg7: memref<128xf32, #tpu.memory_space<vmem>>, %arg8: memref<128xf32, #tpu.memory_space<vmem_shared>>) attributes {dimension_semantics = [#tpu.dimension_semantics<core_parallel>, #tpu.dimension_semantics<subcore_parallel>], iteration_bounds = array<i64: 2, 16>, scalar_prefetch = 0 : i64, scratch_operands = 5 : i64, tpu.core_type = #tpu.core_type<sc_vector_subcore>, window_params = [{transform_indices = #map}, {transform_indices = #map}]} {
    %mul3A = arith.constant 2 : i32
    %mul3A_0 = arith.muli %arg1, %mul3A : i32
    %add3A = arith.addi %mul3A_0, %arg0 : i32
    %mul3A_1 = arith.constant 1024 : i32
    %mul3A_2 = arith.muli %add3A, %mul3A_1 : i32
    "tpu.region"() ({
      %run_scoped3A = tpu.sem_alloc : memref<!tpu.dma_semaphore, #tpu.memory_space<semaphore_mem>>
      %dma_start3A = tpu.memref_slice %arg2[%mul3A_2] : memref<32768xi32, #tpu.memory_space<hbm>> -> memref<1024xi32, #tpu.memory_space<hbm>>
      %dma_start3A_52 = tpu.memref_slice %arg2[%mul3A_2] : memref<32768xi32, #tpu.memory_space<hbm>> -> memref<1024xi32, #tpu.memory_space<hbm>>
      tpu.enqueue_dma source(%dma_start3A_52 : memref<1024xi32, #tpu.memory_space<hbm>>) target(%arg4 : memref<1024xi32, #tpu.memory_space<vmem>>) target_semaphore(%run_scoped3A : memref<!tpu.dma_semaphore, #tpu.memory_space<semaphore_mem>>)
      %dma_wait3A = tpu.memref_slice %arg2[%mul3A_2] : memref<32768xi32, #tpu.memory_space<hbm>> -> memref<1024xi32, #tpu.memory_space<hbm>>
      %dma_wait3A_53 = tpu.memref_slice %arg2[%mul3A_2] : memref<32768xi32, #tpu.memory_space<hbm>> -> memref<1024xi32, #tpu.memory_space<hbm>>
      tpu.wait_dma2 semaphore(%run_scoped3A : memref<!tpu.dma_semaphore, #tpu.memory_space<semaphore_mem>>) src(%dma_wait3A_53 : memref<1024xi32, #tpu.memory_space<hbm>>) dst(%arg4 : memref<1024xi32, #tpu.memory_space<vmem>>)
      tpu.yield
    }) : () -> ()
    %broadcast_in_dim3A = arith.constant 64 : i32
    %broadcast_in_dim3A_3 = vector.broadcast %broadcast_in_dim3A : i32 to vector<16xi32>
    %broadcast_in_dim3A_4 = arith.constant 1.000000e+00 : f32
    %broadcast_in_dim3A_5 = vector.broadcast %broadcast_in_dim3A_4 : f32 to vector<16xf32>
    %broadcast_in_dim3A_6 = arith.constant 0.000000e+00 : f32
    %broadcast_in_dim3A_7 = vector.broadcast %broadcast_in_dim3A_6 : f32 to vector<16xf32>
    %scan3A = arith.constant 0 : i32
    %scan3A_8 = arith.constant 0 : i32
    %scan3A_9 = arith.constant 64 : i32
    %scan3A_10 = arith.addi %scan3A_8, %scan3A_9 : i32
    %scan3A_11 = arith.constant 1 : i32
    scf.for %scan3A_52 = %scan3A_8 to %scan3A_10 step %scan3A_11  : i32 {
      %mul3A_53 = arith.constant 16 : i32
      %mul3A_54 = arith.muli %scan3A_52, %mul3A_53 : i32
      %get3A = arith.index_cast %mul3A_54 : i32 to index
      %get3A_55 = tpu.vector_load %arg4[%get3A] {strides = array<i32>} : memref<1024xi32, #tpu.memory_space<vmem>>, vector<16xi32>,
      %get3A_56 = vector.shape_cast %get3A_55 : vector<16xi32> to vector<16xi32>
      %shift_right_arithmetic3A = arith.constant 6 : i32
      %shift_right_arithmetic3A_57 = vector.broadcast %shift_right_arithmetic3A : i32 to vector<16xi32>
      %shift_right_arithmetic3A_58 = arith.shrsi %get3A_56, %shift_right_arithmetic3A_57 : vector<16xi32>
      %and3A = arith.constant 63 : i32
      %and3A_59 = vector.broadcast %and3A : i32 to vector<16xi32>
      %and3A_60 = arith.andi %get3A_56, %and3A_59 : vector<16xi32>
      %mul3A_61 = arith.constant 16 : i32
      %mul3A_62 = arith.muli %scan3A_52, %mul3A_61 : i32
      %swap3A_63 = arith.index_cast %mul3A_62 : i32 to index
      %swap3A_64 = tpu.vector_load %arg4[%swap3A_63] {strides = array<i32>} : memref<1024xi32, #tpu.memory_space<vmem>>, vector<16xi32>,
      %swap3A_65 = vector.shape_cast %swap3A_64 : vector<16xi32> to vector<16xi32>
      %swap3A_66 = vector.shape_cast %shift_right_arithmetic3A_58 : vector<16xi32> to vector<16xi32>
      tpu.vector_store %arg4[%swap3A_63], %swap3A_66 {strides = array<i32>} : memref<1024xi32, #tpu.memory_space<vmem>>, vector<16xi32>,
      %ne3A = arith.cmpi ne, %and3A_60, %shift_right_arithmetic3A_58 : vector<16xi32>
      %select_n3A = arith.select %ne3A, %and3A_60, %broadcast_in_dim3A_3 : vector<16xi1>, vector<16xi32>
      %mul3A_67 = arith.constant 16 : i32
      %mul3A_68 = arith.muli %scan3A_52, %mul3A_67 : i32
      %swap3A_69 = arith.index_cast %mul3A_68 : i32 to index
      %swap3A_70 = tpu.vector_load %arg5[%swap3A_69] {strides = array<i32>} : memref<1024xi32, #tpu.memory_space<vmem>>, vector<16xi32>,
      %swap3A_71 = vector.shape_cast %swap3A_70 : vector<16xi32> to vector<16xi32>
      %swap3A_72 = vector.shape_cast %select_n3A : vector<16xi32> to vector<16xi32>
      tpu.vector_store %arg5[%swap3A_69], %swap3A_72 {strides = array<i32>} : memref<1024xi32, #tpu.memory_space<vmem>>, vector<16xi32>,
      %mul3A_73 = arith.constant 16 : i32
      %mul3A_74 = arith.muli %scan3A_52, %mul3A_73 : i32
      %swap3A_75 = arith.index_cast %mul3A_74 : i32 to index
      %swap3A_76 = tpu.vector_load %arg6[%swap3A_75] {strides = array<i32>} : memref<1024xf32, #tpu.memory_space<vmem>>, vector<16xf32>,
      %swap3A_77 = vector.shape_cast %swap3A_76 : vector<16xf32> to vector<16xf32>
      %swap3A_78 = vector.shape_cast %broadcast_in_dim3A_5 : vector<16xf32> to vector<16xf32>
      tpu.vector_store %arg6[%swap3A_75], %swap3A_78 {strides = array<i32>} : memref<1024xf32, #tpu.memory_space<vmem>>, vector<16xf32>,
    }
    %scan3A_12 = arith.constant 64 : i32
    %swap3A = arith.constant 0 : index
    %swap3A_13 = tpu.vector_load %arg7[%swap3A] {strides = array<i32>} : memref<128xf32, #tpu.memory_space<vmem>>, vector<16xf32>,
    %swap3A_14 = vector.shape_cast %swap3A_13 : vector<16xf32> to vector<16xf32>
    %swap3A_15 = vector.shape_cast %broadcast_in_dim3A_7 : vector<16xf32> to vector<16xf32>
    tpu.vector_store %arg7[%swap3A], %swap3A_15 {strides = array<i32>} : memref<128xf32, #tpu.memory_space<vmem>>, vector<16xf32>,
    %swap3A_16 = arith.constant 16 : index
    %swap3A_17 = tpu.vector_load %arg7[%swap3A_16] {strides = array<i32>} : memref<128xf32, #tpu.memory_space<vmem>>, vector<16xf32>,
    %swap3A_18 = vector.shape_cast %swap3A_17 : vector<16xf32> to vector<16xf32>
    %swap3A_19 = vector.shape_cast %broadcast_in_dim3A_7 : vector<16xf32> to vector<16xf32>
    tpu.vector_store %arg7[%swap3A_16], %swap3A_19 {strides = array<i32>} : memref<128xf32, #tpu.memory_space<vmem>>, vector<16xf32>,
    %swap3A_20 = arith.constant 32 : index
    %swap3A_21 = tpu.vector_load %arg7[%swap3A_20] {strides = array<i32>} : memref<128xf32, #tpu.memory_space<vmem>>, vector<16xf32>,
    %swap3A_22 = vector.shape_cast %swap3A_21 : vector<16xf32> to vector<16xf32>
    %swap3A_23 = vector.shape_cast %broadcast_in_dim3A_7 : vector<16xf32> to vector<16xf32>
    tpu.vector_store %arg7[%swap3A_20], %swap3A_23 {strides = array<i32>} : memref<128xf32, #tpu.memory_space<vmem>>, vector<16xf32>,
    %swap3A_24 = arith.constant 48 : index
    %swap3A_25 = tpu.vector_load %arg7[%swap3A_24] {strides = array<i32>} : memref<128xf32, #tpu.memory_space<vmem>>, vector<16xf32>,
    %swap3A_26 = vector.shape_cast %swap3A_25 : vector<16xf32> to vector<16xf32>
    %swap3A_27 = vector.shape_cast %broadcast_in_dim3A_7 : vector<16xf32> to vector<16xf32>
    tpu.vector_store %arg7[%swap3A_24], %swap3A_27 {strides = array<i32>} : memref<128xf32, #tpu.memory_space<vmem>>, vector<16xf32>,
    %swap3A_28 = arith.constant 64 : index
    %swap3A_29 = tpu.vector_load %arg7[%swap3A_28] {strides = array<i32>} : memref<128xf32, #tpu.memory_space<vmem>>, vector<16xf32>,
    %swap3A_30 = vector.shape_cast %swap3A_29 : vector<16xf32> to vector<16xf32>
    %swap3A_31 = vector.shape_cast %broadcast_in_dim3A_7 : vector<16xf32> to vector<16xf32>
    tpu.vector_store %arg7[%swap3A_28], %swap3A_31 {strides = array<i32>} : memref<128xf32, #tpu.memory_space<vmem>>, vector<16xf32>,
    %swap3A_32 = arith.constant 80 : index
    %swap3A_33 = tpu.vector_load %arg7[%swap3A_32] {strides = array<i32>} : memref<128xf32, #tpu.memory_space<vmem>>, vector<16xf32>,
    %swap3A_34 = vector.shape_cast %swap3A_33 : vector<16xf32> to vector<16xf32>
    %swap3A_35 = vector.shape_cast %broadcast_in_dim3A_7 : vector<16xf32> to vector<16xf32>
    tpu.vector_store %arg7[%swap3A_32], %swap3A_35 {strides = array<i32>} : memref<128xf32, #tpu.memory_space<vmem>>, vector<16xf32>,
    %swap3A_36 = arith.constant 96 : index
    %swap3A_37 = tpu.vector_load %arg7[%swap3A_36] {strides = array<i32>} : memref<128xf32, #tpu.memory_space<vmem>>, vector<16xf32>,
    %swap3A_38 = vector.shape_cast %swap3A_37 : vector<16xf32> to vector<16xf32>
    %swap3A_39 = vector.shape_cast %broadcast_in_dim3A_7 : vector<16xf32> to vector<16xf32>
    tpu.vector_store %arg7[%swap3A_36], %swap3A_39 {strides = array<i32>} : memref<128xf32, #tpu.memory_space<vmem>>, vector<16xf32>,
    %swap3A_40 = arith.constant 112 : index
    %swap3A_41 = tpu.vector_load %arg7[%swap3A_40] {strides = array<i32>} : memref<128xf32, #tpu.memory_space<vmem>>, vector<16xf32>,
    %swap3A_42 = vector.shape_cast %swap3A_41 : vector<16xf32> to vector<16xf32>
    %swap3A_43 = vector.shape_cast %broadcast_in_dim3A_7 : vector<16xf32> to vector<16xf32>
    tpu.vector_store %arg7[%swap3A_40], %swap3A_43 {strides = array<i32>} : memref<128xf32, #tpu.memory_space<vmem>>, vector<16xf32>,
    %eq3A = arith.constant 0 : i32
    %eq3A_44 = arith.cmpi eq, %arg1, %eq3A : i32
    %convert_element_type3A = arith.extui %eq3A_44 : i1 to i32
    %cond3A = arith.constant 0 : i32
    %cond3A_45 = arith.cmpi ne, %convert_element_type3A, %cond3A : i32
    scf.if %cond3A_45 {
      "tpu.region"() ({
        %run_scoped3A = tpu.sem_alloc : memref<!tpu.dma_semaphore, #tpu.memory_space<semaphore_mem>>
        tpu.enqueue_dma source(%arg7 : memref<128xf32, #tpu.memory_space<vmem>>) target(%arg8 : memref<128xf32, #tpu.memory_space<vmem_shared>>) target_semaphore(%run_scoped3A : memref<!tpu.dma_semaphore, #tpu.memory_space<semaphore_mem>>)
        tpu.wait_dma2 semaphore(%run_scoped3A : memref<!tpu.dma_semaphore, #tpu.memory_space<semaphore_mem>>) src(%arg7 : memref<128xf32, #tpu.memory_space<vmem>>) dst(%arg8 : memref<128xf32, #tpu.memory_space<vmem_shared>>)
        tpu.yield
      }) : () -> ()
    } else {
    }
    %barrier3A = arith.constant 0 : index
    tpu.barrier barrier_id(%barrier3A)
    "tpu.region"() ({
      %run_scoped3A = tpu.sem_alloc : memref<!tpu.dma_semaphore, #tpu.memory_space<semaphore_mem>>
      %dma_start3A = arith.constant 0 : i32
      %dma_start3A_52 = tpu.memref_slice %arg8[%dma_start3A] : memref<128xf32, #tpu.memory_space<vmem_shared>> -> memref<128xf32, #tpu.memory_space<vmem_shared>>
      tpu.enqueue_indirect_dma source(%arg6 : memref<1024xf32, #tpu.memory_space<vmem>>) target(%dma_start3A_52 : memref<128xf32, #tpu.memory_space<vmem_shared>>) offsets(%arg4 : memref<1024xi32, #tpu.memory_space<vmem>>) semaphore(%run_scoped3A : memref<!tpu.dma_semaphore, #tpu.memory_space<semaphore_mem>>) {add = true}
      %dma_wait3A = arith.constant 0 : i32
      %dma_wait3A_53 = tpu.memref_slice %arg8[%dma_wait3A] : memref<128xf32, #tpu.memory_space<vmem_shared>> -> memref<128xf32, #tpu.memory_space<vmem_shared>>
      tpu.wait_indirect_dma semaphore(%run_scoped3A : memref<!tpu.dma_semaphore, #tpu.memory_space<semaphore_mem>>) src(%arg6 : memref<1024xf32, #tpu.memory_space<vmem>>) dst(%dma_wait3A_53 : memref<128xf32, #tpu.memory_space<vmem_shared>>)
      tpu.yield
    }) : () -> ()
    "tpu.region"() ({
      %run_scoped3A = tpu.sem_alloc : memref<!tpu.dma_semaphore, #tpu.memory_space<semaphore_mem>>
      %dma_start3A = arith.constant 0 : i32
      %dma_start3A_52 = tpu.memref_slice %arg8[%dma_start3A] : memref<128xf32, #tpu.memory_space<vmem_shared>> -> memref<128xf32, #tpu.memory_space<vmem_shared>>
      tpu.enqueue_indirect_dma source(%arg6 : memref<1024xf32, #tpu.memory_space<vmem>>) target(%dma_start3A_52 : memref<128xf32, #tpu.memory_space<vmem_shared>>) offsets(%arg5 : memref<1024xi32, #tpu.memory_space<vmem>>) semaphore(%run_scoped3A : memref<!tpu.dma_semaphore, #tpu.memory_space<semaphore_mem>>) {add = true}
      %dma_wait3A = arith.constant 0 : i32
      %dma_wait3A_53 = tpu.memref_slice %arg8[%dma_wait3A] : memref<128xf32, #tpu.memory_space<vmem_shared>> -> memref<128xf32, #tpu.memory_space<vmem_shared>>
      tpu.wait_indirect_dma semaphore(%run_scoped3A : memref<!tpu.dma_semaphore, #tpu.memory_space<semaphore_mem>>) src(%arg6 : memref<1024xf32, #tpu.memory_space<vmem>>) dst(%dma_wait3A_53 : memref<128xf32, #tpu.memory_space<vmem_shared>>)
      tpu.yield
    }) : () -> ()
    %barrier3A_46 = arith.constant 0 : index
    tpu.barrier barrier_id(%barrier3A_46)
    %eq3A_47 = arith.constant 0 : i32
    %eq3A_48 = arith.cmpi eq, %arg1, %eq3A_47 : i32
    %convert_element_type3A_49 = arith.extui %eq3A_48 : i1 to i32
    %cond3A_50 = arith.constant 0 : i32
    %cond3A_51 = arith.cmpi ne, %convert_element_type3A_49, %cond3A_50 : i32
    scf.if %cond3A_51 {
      %mul3A_52 = arith.constant 128 : i32
      %mul3A_53 = arith.muli %arg0, %mul3A_52 : i32
      "tpu.region"() ({
        %run_scoped3A = tpu.sem_alloc : memref<!tpu.dma_semaphore, #tpu.memory_space<semaphore_mem>>
        %dma_start3A = tpu.memref_slice %arg3[%mul3A_53] : memref<256xf32, #tpu.memory_space<hbm>> -> memref<128xf32, #tpu.memory_space<hbm>>
        tpu.enqueue_dma source(%arg8 : memref<128xf32, #tpu.memory_space<vmem_shared>>) target(%dma_start3A : memref<128xf32, #tpu.memory_space<hbm>>) target_semaphore(%run_scoped3A : memref<!tpu.dma_semaphore, #tpu.memory_space<semaphore_mem>>)
        %dma_wait3A = tpu.memref_slice %arg3[%mul3A_53] : memref<256xf32, #tpu.memory_space<hbm>> -> memref<128xf32, #tpu.memory_space<hbm>>
        tpu.wait_dma2 semaphore(%run_scoped3A : memref<!tpu.dma_semaphore, #tpu.memory_space<semaphore_mem>>) src(%arg8 : memref<128xf32, #tpu.memory_space<vmem_shared>>) dst(%dma_wait3A : memref<128xf32, #tpu.memory_space<hbm>>)
        tpu.yield
      }) : () -> ()
    } else {
    }
    return
  }
}

module attributes {stable_mosaic.version = 14 : i64} {
  func.func @_tc_body(%arg0: i32, %arg1: memref<8192x64xf32, #tpu.memory_space<vmem>>, %arg2: memref<8192x64xf32, #tpu.memory_space<vmem>>, %arg3: memref<1x256xf32, #tpu.memory_space<vmem>>, %arg4: memref<1x1xf32, #tpu.memory_space<smem>>, %arg5: memref<1x64xf32, #tpu.memory_space<vmem>>, %arg6: memref<1x1xf32, #tpu.memory_space<smem>>) attributes {dimension_semantics = [#tpu.dimension_semantics<arbitrary>], iteration_bounds = array<i64: 4>, scalar_prefetch = 0 : i64, scratch_operands = 2 : i64, tpu.core_type = #tpu.core_type<tc>, window_params = [{transform_indices = @transform_0, window_bounds = array<i64: 8192, 64>}, {transform_indices = @transform_1, window_bounds = array<i64: 8192, 64>}, {pipeline_mode = #tpu.pipeline_mode<synchronous>, transform_indices = @transform_2, window_bounds = array<i64: 1, 256>}, {transform_indices = @transform_3, window_bounds = array<i64: 1, 1>}]} {
    %eq3A = arith.constant 0 : i32
    %eq3A_0 = arith.cmpi eq, %arg0, %eq3A : i32
    %convert_element_type3A = arith.extui %eq3A_0 : i1 to i32
    %cond3A = arith.constant 0 : i32
    %cond3A_1 = arith.cmpi ne, %convert_element_type3A, %cond3A : i32
    scf.if %cond3A_1 {
      %broadcast_in_dim3A_33 = arith.constant 0.000000e+00 : f32
      %broadcast_in_dim3A_34 = vector.broadcast %broadcast_in_dim3A_33 : f32 to vector<1x64xf32>
      %swap3A_35 = arith.constant 0 : index
      %swap3A_36 = arith.constant 0 : index
      %swap3A_37 = vector.load %arg5[%swap3A_35, %swap3A_36] : memref<1x64xf32, #tpu.memory_space<vmem>>, vector<1x64xf32>
      tpu.vector_store %arg5[%swap3A_35, %swap3A_36], %broadcast_in_dim3A_34 {strides = array<i32>} : memref<1x64xf32, #tpu.memory_space<vmem>>, vector<1x64xf32>,
      %swap3A_38 = arith.constant 0.000000e+00 : f32
      %swap3A_39 = arith.constant 0 : index
      %swap3A_40 = arith.constant 0 : index
      %swap3A_41 = memref.load %arg6[%swap3A_39, %swap3A_40] : memref<1x1xf32, #tpu.memory_space<smem>>
      memref.store %swap3A_38, %arg6[%swap3A_39, %swap3A_40] : memref<1x1xf32, #tpu.memory_space<smem>>
    } else {
    }
    %get3A = arith.constant 0 : index
    %get3A_2 = arith.constant 0 : index
    %get3A_3 = vector.load %arg5[%get3A, %get3A_2] : memref<1x64xf32, #tpu.memory_space<vmem>>, vector<1x64xf32>
    %get3A_4 = arith.constant 0 : index
    %get3A_5 = arith.constant 0 : index
    %get3A_6 = vector.load %arg1[%get3A_4, %get3A_5] : memref<8192x64xf32, #tpu.memory_space<vmem>>, vector<8192x64xf32>
    %reduce_sum3A = arith.constant dense<0.000000e+00> : vector<64xf32>
    %reduce_sum3A_7 = vector.multi_reduction <add>, %get3A_6, %reduce_sum3A [0] : vector<8192x64xf32> to vector<64xf32>
    %broadcast_in_dim3A = vector.shape_cast %reduce_sum3A_7 : vector<64xf32> to vector<1x64xf32>
    %add3A = arith.addf %get3A_3, %broadcast_in_dim3A : vector<1x64xf32>
    %swap3A = arith.constant 0 : index
    %swap3A_8 = arith.constant 0 : index
    %swap3A_9 = vector.load %arg5[%swap3A, %swap3A_8] : memref<1x64xf32, #tpu.memory_space<vmem>>, vector<1x64xf32>
    tpu.vector_store %arg5[%swap3A, %swap3A_8], %add3A {strides = array<i32>} : memref<1x64xf32, #tpu.memory_space<vmem>>, vector<1x64xf32>,
    %get3A_10 = arith.constant 0 : index
    %get3A_11 = arith.constant 0 : index
    %get3A_12 = vector.load %arg2[%get3A_10, %get3A_11] : memref<8192x64xf32, #tpu.memory_space<vmem>>, vector<8192x64xf32>
    %exp3A = math.exp %get3A_12 : vector<8192x64xf32>
    %broadcast_in_dim3A_13 = arith.constant 1.000000e+00 : f32
    %broadcast_in_dim3A_14 = vector.broadcast %broadcast_in_dim3A_13 : f32 to vector<64x8xf32>
    %dot_general3A = arith.constant dense<0.000000e+00> : vector<8192x8xf32>
    %dot_general3A_15 = tpu.matmul %exp3A, %broadcast_in_dim3A_14, %dot_general3A {dimension_numbers = #tpu.dot_dimension_numbers<[1], [0], [0], [1], [0, 0, 1, 1], [], []>, transpose_lhs_hint = false} : vector<8192x64xf32>, vector<64x8xf32>, vector<8192x8xf32> -> vector<8192x8xf32>
    %slice3A = vector.extract_strided_slice %dot_general3A_15 {offsets = [0, 0], sizes = [8192, 1], strides = [1, 1]} : vector<8192x8xf32> to vector<8192x1xf32>
    %log3A = math.log %slice3A : vector<8192x1xf32>
    %get3A_16 = arith.constant 0 : index
    %get3A_17 = arith.constant 0 : index
    %get3A_18 = memref.load %arg6[%get3A_16, %get3A_17] : memref<1x1xf32, #tpu.memory_space<smem>>
    %mul3A = arith.mulf %log3A, %log3A : vector<8192x1xf32>
    %reduce_sum3A_19 = vector.shape_cast %mul3A : vector<8192x1xf32> to vector<1x8192x1xf32>
    %reduce_sum3A_20 = arith.constant dense<0.000000e+00> : vector<1xf32>
    %reduce_sum3A_21 = vector.multi_reduction <add>, %reduce_sum3A_19, %reduce_sum3A_20 [1, 2] : vector<1x8192x1xf32> to vector<1xf32>
    %reduce_sum3A_22 = vector.shape_cast %reduce_sum3A_21 : vector<1xf32> to vector<1x1x1xf32>
    %reduce_sum3A_23 = vector.extract %reduce_sum3A_22[0, 0, 0] : f32 from vector<1x1x1xf32>
    %add3A_24 = arith.addf %get3A_18, %reduce_sum3A_23 : f32
    %swap3A_25 = arith.constant 0 : index
    %swap3A_26 = arith.constant 0 : index
    %swap3A_27 = memref.load %arg6[%swap3A_25, %swap3A_26] : memref<1x1xf32, #tpu.memory_space<smem>>
    memref.store %add3A_24, %arg6[%swap3A_25, %swap3A_26] : memref<1x1xf32, #tpu.memory_space<smem>>
    %eq3A_28 = arith.constant 3 : i32
    %eq3A_29 = arith.cmpi eq, %arg0, %eq3A_28 : i32
    %convert_element_type3A_30 = arith.extui %eq3A_29 : i1 to i32
    %cond3A_31 = arith.constant 0 : i32
    %cond3A_32 = arith.cmpi ne, %convert_element_type3A_30, %cond3A_31 : i32
    scf.if %cond3A_32 {
      %get3A_33 = arith.constant 0 : index
      %get3A_34 = arith.constant 0 : index
      %get3A_35 = vector.load %arg3[%get3A_33, %get3A_34] : memref<1x256xf32, #tpu.memory_space<vmem>>, vector<1x256xf32>
      %slice3A_36 = vector.extract_strided_slice %get3A_35 {offsets = [0, 0], sizes = [1, 64], strides = [1, 1]} : vector<1x256xf32> to vector<1x64xf32>
      %slice3A_37 = vector.extract_strided_slice %get3A_35 {offsets = [0, 128], sizes = [1, 64], strides = [1, 1]} : vector<1x256xf32> to vector<1x64xf32>
      %add3A_38 = arith.addf %slice3A_36, %slice3A_37 : vector<1x64xf32>
      %get3A_39 = arith.constant 0 : index
      %get3A_40 = arith.constant 0 : index
      %get3A_41 = vector.load %arg5[%get3A_39, %get3A_40] : memref<1x64xf32, #tpu.memory_space<vmem>>, vector<1x64xf32>
      %mul3A_42 = arith.mulf %get3A_41, %add3A_38 : vector<1x64xf32>
      %reduce_sum3A_43 = vector.shape_cast %mul3A_42 : vector<1x64xf32> to vector<1x1x64xf32>
      %reduce_sum3A_44 = arith.constant dense<0.000000e+00> : vector<1xf32>
      %reduce_sum3A_45 = vector.multi_reduction <add>, %reduce_sum3A_43, %reduce_sum3A_44 [1, 2] : vector<1x1x64xf32> to vector<1xf32>
      %reduce_sum3A_46 = vector.shape_cast %reduce_sum3A_45 : vector<1xf32> to vector<1x1x1xf32>
      %reduce_sum3A_47 = vector.extract %reduce_sum3A_46[0, 0, 0] : f32 from vector<1x1x1xf32>
      %mul3A_48 = arith.constant 5.96046434E-10 : f32
      %mul3A_49 = arith.mulf %mul3A_48, %reduce_sum3A_47 : f32
      %get3A_50 = arith.constant 0 : index
      %get3A_51 = arith.constant 0 : index
      %get3A_52 = memref.load %arg6[%get3A_50, %get3A_51] : memref<1x1xf32, #tpu.memory_space<smem>>
      %mul3A_53 = arith.constant 1.000000e-03 : f32
      %mul3A_54 = arith.mulf %mul3A_53, %get3A_52 : f32
      %div3A = arith.constant 3.276800e+04 : f32
      %div3A_55 = arith.divf %mul3A_54, %div3A : f32
      %add3A_56 = arith.addf %mul3A_49, %div3A_55 : f32
      %swap3A_57 = arith.constant 0 : index
      %swap3A_58 = arith.constant 0 : index
      %swap3A_59 = memref.load %arg4[%swap3A_57, %swap3A_58] : memref<1x1xf32, #tpu.memory_space<smem>>
      memref.store %add3A_56, %arg4[%swap3A_57, %swap3A_58] : memref<1x1xf32, #tpu.memory_space<smem>>
    } else {
    }
    return
  }
  func.func @transform_0(%arg0: i32) -> (i32, i32) {
    %c0_i32 = arith.constant 0 : i32
    %c0_i32_0 = arith.constant 0 : i32
    return %arg0, %c0_i32 : i32, i32
  }
  func.func @transform_1(%arg0: i32) -> (i32, i32) {
    %c0_i32 = arith.constant 0 : i32
    %c0_i32_0 = arith.constant 0 : i32
    return %arg0, %c0_i32 : i32, i32
  }
  func.func @transform_2(%arg0: i32) -> (i32, i32) {
    %c0_i32 = arith.constant 0 : i32
    %c0_i32_0 = arith.constant 0 : i32
    %c0_i32_1 = arith.constant 0 : i32
    return %c0_i32, %c0_i32_0 : i32, i32
  }
  func.func @transform_3(%arg0: i32) -> (i32, i32) {
    %c0_i32 = arith.constant 0 : i32
    %c0_i32_0 = arith.constant 0 : i32
    %c0_i32_1 = arith.constant 0 : i32
    return %c0_i32, %c0_i32_0 : i32, i32
  }
}

</mosaic_0001>

<sc_bundles>
// kernel: kernel.4.cloned.1.call-start
scs
__scs_entry_jumppad:
0x0: {  	(pc) =	sbr.rel $0x88, $3  }
0x1: {  	(tag) =	ssettag $0x0;
	lr =	simm.s32 $0x1  }
0x2: {  	[smem:$0x3F9F] =	sst lr;
	_ =	strace $0xD0000000  }
0x3: {  	_ = 	snop  }
0x4: {  	_ = 	snop  }
0x5: {  	_ = 	snop  }
0x6: {  	_ = 	snop  }
0x7: {  	_ = 	snop  }
__scs_overlays_trampoline_lowered:
0x8: {  	[smem:$0x3FAE] =	sst s0  }
0x9: {  	[smem:$0x3FAF] =	sst s1  }
0xa: {  	[smem:$0x3FB0] =	sst s2  }
0xb: {  	[smem:$0x3FB1] =	sst s3  }
0xc: {  	[smem:$0x3FB2] =	sst s4  }
0xd: {  	[smem:$0x3FB3] =	sst s5  }
0xe: {  	[smem:$0x3FB4] =	sst s6  }
0xf: {  	[smem:$0x3FB5] =	sst s7  }
0x10: {  	[smem:$0x3FB6] =	sst s8  }
0x11: {  	[smem:$0x3FB7] =	sst s9;
	s0 =	simm.s32 @!p0 $0x0  }
0x12: {  	s1 =	sld [smem:$0x3F9D];
	s0 =	simm.s32 @p0 $0x1  }
0x13: {  	[smem:$0x3FB8] =	sst s0;
	s0 =	simm.s32 @!p1 $0x0  }
0x14: {  	s2 =	sld [smem:$0x3F9C];
	s0 =	simm.s32 @p1 $0x1  }
0x15: {  	[smem:$0x3FB9] =	sst s0;
	s0 =	simm.s32 @!p2 $0x0  }
0x16: {  	s3 =	sld [smem:$0x3FDB];
	s0 =	simm.s32 @p2 $0x1  }
0x17: {  	s4 =	simm.s32 $0x1BF5;
	[smem:$0x3FBB] =	sst s0  }
0x18: {  	s0 =	sld [smem:$0x3F9E];
	_ =	swait.ge [sflag:s4], $0x0  }
0x19: {  	s7 =	sld [smem:$0x3F9F]  }
0x1a: {  	s8 =	sadd.s32 $0xFFFFE003, lr  }
0x1b: {  	s9 =	sadd.s32 $0xFFFFFEF7, lr;
	s5 =	simm.s32 $0xFFFFFFFF;
	p2 =	slt.u32 s8, $0xFFFFF086  }
0x1c: {  	p1 =	slt.u32 s9, $0xF7A;
	s5 =	simm.s32 @!p2 $0x0  }
0x1d: {  	s5 =	simm.s32 @p1 $0x1;
	p0 =	seq.s32 s7, s2  }
0x1e: {  	s7 =	smul.u32 @!p0 $0xF7A, s2;
	p2 =	seq.s32 @!p0 s5, $0x0  }
0x1f: {  	s9 =	smul.u32 $0xF7A, s1;
	s8 =	simm.s32 @!p0 $0x1BF5;
	p2 =	por !p2, p0  }
0x20: {  	[sflag:s8] =	ssyncset.s32 @!p0 $0xFFFFF086;
	s6 =	sadd.s32 @!p0 s3, s7;
	s7 =	simm.s32 @!p0 $0x108  }
0x21: {  	s3 =	sadd.s32 s3, s9;
	s6 =	sadd.s32 @!p0 $0x88, s6;
	s7 =	simm.s32 @p2 $0x1082  }
0x22: {  	[simem:s7], [sflag:s8] =	dma.local @!p0 [hbm:s6], $0xF7A  }
0x23: {  	s9 =	sor.u32 $0xD0000000, s2;
	s6 =	simm.s32 $0x108;
	_ =	swait.ge @!p0 [sflag:s8], $0x0  }
0x24: {  	s3 =	sadd.s32 $0x88, s3;
	s6 =	simm.s32 @!p1 $0x1082;
	[sflag:s4] =	ssyncset.s32 $0xFFFFF086  }
0x25: {  	[simem:s6], [sflag:s4] =	dma.local [hbm:s3], $0xF7A  }
0x26: {  	[smem:$0x3F9F] =	sst s1;
	(tag) =	ssettag s2;
	_ =	strace s9  }
0x27: {  	s1 =	sld [smem:$0x3FAF]  }
0x28: {  	s2 =	sld [smem:$0x3FB0]  }
0x29: {  	s4 =	sld [smem:$0x3FB2]  }
0x2a: {  	p0 =	seq.s32 s5, $0x0;
	s5 =	sld [smem:$0x3FB3]  }
0x2b: {  	s6 =	sld [smem:$0x3FB4]  }
0x2c: {  	s7 =	sld [smem:$0x3FB5]  }
0x2d: {  	s3 =	simm.s32 $0x108;
	s8 =	sld [smem:$0x3FB6]  }
0x2e: {  	s3 =	simm.s32 @!p0 $0x1082;
	s9 =	sld [smem:$0x3FB7]  }
0x2f: {  	lr =	sadd.s32 s0, s3;
	s0 =	sld [smem:$0x3FAE]  }
0x30: {  	s3 =	sld [smem:$0x3FB1]  }
0x31: {  	[smem:$0x3FBA] =	sst s10  }
0x32: {  	s10 =	sld [smem:$0x3FB8];
	_ =	sdelay $0x3  }
0x33: {  	p0 =	seq.s32 s10, $0x1;
	s10 =	sld [smem:$0x3FBA];
	_ =	sdelay $0x3  }
0x34: {  	[smem:$0x3FBA] =	sst s10  }
0x35: {  	s10 =	sld [smem:$0x3FB9];
	_ =	sdelay $0x3  }
0x36: {  	p1 =	seq.s32 s10, $0x1;
	s10 =	sld [smem:$0x3FBA];
	_ =	sdelay $0x3  }
0x37: {  	[smem:$0x3FBA] =	sst s10  }
0x38: {  	s10 =	sld [smem:$0x3FBB]  }
0x39: {  	_ = 	snop;
	(pc) =	sbr.ind lr, $3  }
0x3a: {  	_ = 	snop  }
0x3b: {  	_ = 	snop  }
0x3c: {  	p2 =	seq.s32 s10, $0x1;
	s10 =	sld [smem:$0x3FBA]  }
0x3d: {  	_ =	shalt  }
0x3e: {  	_ =	shalt  }
0x3f: {  	_ =	shalt  }
0x40: {  	_ =	shalt  }
0x41: {  	_ =	shalt  }
0x42: {  	_ =	shalt  }
0x43: {  	_ =	shalt  }
0x44: {  	_ =	shalt  }
0x45: {  	_ =	shalt  }
0x46: {  	_ =	shalt  }
0x47: {  	_ =	shalt  }
0x48: {  	_ =	shalt  }
0x49: {  	_ =	shalt  }
0x4a: {  	_ =	shalt  }
0x4b: {  	_ =	shalt  }
0x4c: {  	_ =	shalt  }
0x4d: {  	_ =	shalt  }
0x4e: {  	_ =	shalt  }
0x4f: {  	_ =	shalt  }
0x50: {  	_ =	shalt  }
0x51: {  	_ =	shalt  }
0x52: {  	_ =	shalt  }
0x53: {  	_ =	shalt  }
0x54: {  	_ =	shalt  }
0x55: {  	_ =	shalt  }
0x56: {  	_ =	shalt  }
0x57: {  	_ =	shalt  }
0x58: {  	_ =	shalt  }
0x59: {  	_ =	shalt  }
0x5a: {  	_ =	shalt  }
0x5b: {  	_ =	shalt  }
0x5c: {  	_ =	shalt  }
0x5d: {  	_ =	shalt  }
0x5e: {  	_ =	shalt  }
0x5f: {  	_ =	shalt  }
0x60: {  	_ =	shalt  }
0x61: {  	_ =	shalt  }
0x62: {  	_ =	shalt  }
0x63: {  	_ =	shalt  }
0x64: {  	_ =	shalt  }
0x65: {  	_ =	shalt  }
0x66: {  	_ =	shalt  }
0x67: {  	_ =	shalt  }
0x68: {  	_ =	shalt  }
0x69: {  	_ =	shalt  }
0x6a: {  	_ =	shalt  }
0x6b: {  	_ =	shalt  }
0x6c: {  	_ =	shalt  }
0x6d: {  	_ =	shalt  }
0x6e: {  	_ =	shalt  }
0x6f: {  	_ =	shalt  }
0x70: {  	_ =	shalt  }
0x71: {  	_ =	shalt  }
0x72: {  	_ =	shalt  }
0x73: {  	_ =	shalt  }
0x74: {  	_ =	shalt  }
0x75: {  	_ =	shalt  }
0x76: {  	_ =	shalt  }
0x77: {  	_ =	shalt  }
0x78: {  	_ =	shalt  }
0x79: {  	_ =	shalt  }
0x7a: {  	_ =	shalt  }
0x7b: {  	_ =	shalt  }
0x7c: {  	_ =	shalt  }
0x7d: {  	_ =	shalt  }
0x7e: {  	_ =	shalt  }
0x7f: {  	_ =	shalt  }
0x80: {  	_ =	shalt  }
0x81: {  	_ =	shalt  }
0x82: {  	_ =	shalt  }
0x83: {  	_ =	shalt  }
0x84: {  	_ =	shalt  }
0x85: {  	_ =	shalt  }
0x86: {  	_ =	shalt  }
0x87: {  	_ =	shalt  }
.Lfunc_end0:
.L_simem_size_0:
called_computation_lowered:
.L_overlay_start_0:
0x88: {  	s2 =	sld [smem:$0x3FD9]  }
0x89: {  	s3 =	sld [smem:$0x3FFE];
	_ =	sdelay $0x1  }
0x8a: {  	s1 =	srdreg.scid  }
0x8b: {  	s0 =	sand.u32 $0x1, s1  }
0x8c: {  	s16 =	sshll.u32 s0, $0xA;
	s2 =	sadd.s32 s3, s2  }
0x8d: {  	s2 =	sadd.s32 s2, s16  }
0x8e: {  	[smem:$0x3FC6] =	sst s2  }
0x8f: {  	_ = 	snop  }
0x90: {  	(tm) =	ssettm $0x1  }
0x91: {  	s17 =	sld [smem:$0x3FFB];
	_ =	sdelay $0x3  }
0x92: {  	_ =	strace s17  }
0x93: {  	s2 =	sld [smem:$0x3FFC];
	_ =	sdelay $0x3  }
0x94: {  	_ =	strace s2  }
0x95: {  	s2 =	sld [smem:$0x3FFD];
	_ =	sdelay $0x3  }
0x96: {  	_ =	strace s2  }
0x97: {  	_ =	strace $0x8FFFFFFF  }
0x98: {  	s18 =	sld [smem:$0x3FDB];
	_ =	sdelay $0x1  }
0x99: {  	s19 =	simm.s32 $_scs_section_size  }
0x9a: {  	s4 =	simm.s32 $_size__tile_overlayer_lowered;
	s5 =	simm.s32 $_tile_overlayer_lowered  }
0x9b: {  	s22 =	simm.s32 $0x1BFF;
	s21 =	sshll.u32 s5, $0x1;
	s2 =	sadd.s32 s19, s18  }
0x9c: {  	s6 =	simm.s32 $0x0;
	s20 =	sshll.u32 s4, $0x1;
	s4 =	sadd.s32 s21, s2  }
0x9d: {  	[timem:s6], [sflag:s22] =	dma.local [hbm:s4], s20  }
0x9e: {  	_ =	swait.ge [sflag:s22], s20  }
0x9f: {  	s3 =	ssub.s32 $0x0, s20;
	[sflag:s22] =	ssyncset.done $0x0  }
0xa0: {  	[sflag:s22] =	ssyncadd.s32 s3;
	_ =	sdelay $0x1  }
0xa1: {  	s23 =	simm.s32 $0x1B8B  }
0xa2: {  	_ =	swait.ge [sflag:s23], $0x1  }
0xa3: {  	[sflag:s23] =	ssyncset.done $0x0  }
0xa4: {  	s25 =	simm.s32 $0x1B8E;
	s24 =	sld [smem:$0x3FFE];
	[sflag:s23] =	ssyncadd.s32 $0xFFFFFFFF  }
0xa5: {  	s26 =	simm.s32 $execute0_lowered;
	[smem:$0x3FD2] =	sst s25  }
0xa6: {  	s4 =	sshll.u32 s26, $0x1;
	_ =	strace $0x80000046;
	[dreg:$0x1] =	wrdreg $0xFFFFFFFF  }
0xa7: {  	s28 =	simm.s32 $_size_execute0_lowered;
	s2 =	sadd.s32 s2, s4;
	[dreg:$0x0] =	wrdreg $0x0  }
0xa8: {  	s4 =	sshll.u32 s28, $0x1;
	[dreg:$0x2] =	wrdreg s2  }
0xa9: {  	[dreg:$0x3] =	wrdreg s4  }
0xaa: {  	[dreg:$0x4] =	wrdreg $0xC0  }
0xab: {  	_ =	task [dreg:s6], $0x5FFFF  }
0xac: {  	[dreg:$0x1] =	wrdreg $0xFFFFFFFF  }
0xad: {  	[dreg:$0x0] =	wrdreg $0x60  }
0xae: {  	[dreg:$0x2] =	wrdreg s24  }
0xaf: {  	[dreg:$0x3] =	wrdreg $0xC800  }
0xb0: {  	[dreg:$0x4] =	wrdreg $0x9  }
0xb1: {  	_ =	task.clear_ibuf [dreg:s6], $0x5FFFF;
	_ =	strace $0x90000046  }
0xb2: {  	s29 =	simm.s32 $0x9;
	_ =	strace $0x80000048  }
0xb3: {  	_ =	swait.ge [sflag:s29], $0x1  }
0xb4: {  	[sflag:s29] =	ssyncadd.s32 $0xFFFFFFFF  }
0xb5: {  	_ =	strace $0x90000048  }
0xb6: {  	_ =	sfence  }
0xb7: {  	s30 =	sld [smem:$0x0];
	_ =	sdelay $0x2  }
0xb8: {  	s31 =	sshll.u32 s1, $0xD;
	s1 =	sshrl.u32 s1, $0x2  }
0xb9: {  	s3 =	sand.u32 $0x4000, s31;
	s1 =	sadd.s32 s1, s30  }
0xba: {  	s0 =	sor.u32 s3, s0;
	s1 =	sshll.u32 s1, $0x11  }
0xbb: {  	s0 =	sor.u32 s1, s0  }
0xbc: {  	s0 =	sadd.s32 $0x8F2B, s0  }
0xbd: {  	[sflag:s0] =	ssyncadd.remote.s32 $0x1  }
0xbe: {  	_ =	sfence.sel $0xFFFF  }
0xbf: {  	[dreg:$0x0] =	wrdreg $0xFFFFFFFF;
	(pc) =	sbr.abs _section_cstart, $3  }
0xc0: {  	[dreg:$0x1] =	wrdreg $0xFFFFFFFF  }
0xc1: {  	_ =	task.clear_ibuf [dreg:s6], $0x2FFFF;
	_ =	strace $0x9FFFFFFF  }
0xc2: {  	(tm) =	ssettm $0x7FFFFFFF  }
0xc3: {  	_ =	shalt  }
tec
execute0_lowered:
.L_overlay_start_1:
0x0: {  	(tag) =	ssettag $0x1  }
0x1: {  	s3 =	rddreg [dreg:$0x0]  }
0x2: {  	s1 =	rddreg [dreg:$0x1]  }
0x3: {  	s0 =	rddreg [dreg:$0x2];
	s2 =	simm.s32 $0x0;
	s4 =	srdreg.scid  }
0x4: {  	s6 =	stileid.u32;
	[smem:$0x7FF] =	sst s2  }
0x5: {  	s4 =	sand.u32 $0x1, s4;
	s8 =	sshll.u32 s6, $0x8;
	p0 =	sne.s32 s6, $0x0  }
0x6: {  	s6 =	simm.s32 $0x1;
	_ =	strace $0x80000047;
	s5 =	sshll.u32 s4, $0x7  }
0x7: {  	s7 =	ssub.s32 $0x2, s4;
	s4 =	sshll.u32 s4, $0x4;
	s5 =	sadd.s32 s5, s3  }
0x8: {  	s31 =	sshrl.u32 s7, $0x1;
	s4 =	sadd.s32 s4, s3;
	s5 =	sadd.s32 s8, s5  }
0x9: {  	s7 =	ssub.s32 s7, s31;
	s4 =	sadd.s32 $0x1E00, s4;
	s8 =	simm.s32 $0x0  }
0xa: {  	v0 =	vimm.f32 $1.000000000e+00;
	v1 =	vimm.f32 $0.0e+00;
	s3 =	sadd.s32 $0xE00, s5;
	s5 =	smax.u32 s7, $0x1;
	s7 =	sshrl.u32 @!p0 s1, $0x3  }
.LBB2_1:
0xb: {  	[tilespmem:s2], [sflag:$0x1] =	stream.linear.gather [hbm4b:s3+s2], $0x400, $0x38;
	[tilespmem:$0xC88] =	vst v63  }
0xc: {  	_ =	swait.ge [sflag:s6], $0x400  }
0xd: {  	[sflag:s6] =	ssyncset.done $0x0  }
0xe: {  	s9 =	simm.s32 $0x0;
	[sflag:s6] =	ssyncadd.s32 $0xFFFFFC00  }
0xf: {  	v2 =	vld [tilespmem:s9+$0x0];
	_ =	sdelay $0x3  }
0x10: {  	s10 =	simm.s32 $0x40;
	s11 =	simm.s32 $0x80;
	[tilespmem:s9+$0x800] =	vst v0  }
.LBB2_2:
0x11: {  	p1 =	sne.s32 s11, $0xFC0;
	v3 =	vshra.s32 v2, $0x6;
	v4 =	vand.u32 $0x3F, v2  }
0x12: {  	s12 =	sshra.s32 s10, $0x2;
	s10 =	smov.u32 s11;
	[tilespmem:s9+$0x0] =	vst v3;
	vm0 =	veq.s32 v4, v3  }
.Ltmp0:
0x13: {  	v2 =	vld [tilespmem:s12+$0x0];
	[tilespmem:s12+$0x800] =	vst v0;
	v3 =	vsel vm0, $0x40, v4;
	(pc) =	sbr.rel @p1 .LBB2_2-.Ltmp0, $2  }
0x14: {  	[tilespmem:s9+$0x400] =	vst v3;
	s9 =	smov.u32 s12;
	_ =	sdelay $0x2  }
0x15: {  	s11 =	sadd.s32 $0x40, s11  }
0x16: {  	v3 =	vshra.s32 v2, $0x6  }
0x17: {  	s10 =	sshra.s32 s10, $0x2;
	[tilespmem:s9+$0x0] =	vst v3  }
0x18: {  	v4 =	vld [tilespmem:s10+$0x0];
	_ =	sdelay $0x2  }
0x19: {  	v2 =	vand.u32 $0x3F, v2  }
0x1a: {  	vm0 =	veq.s32 v2, v3  }
0x1b: {  	[tilespmem:s10+$0x800] =	vst v0;
	v2 =	vsel vm0, $0x40, v2;
	v3 =	vshra.s32 v4, $0x6;
	v4 =	vand.u32 $0x3F, v4  }
0x1c: {  	[tilespmem:s9+$0x400] =	vst v2;
	vm15 =	veq.s32 v4, v3  }
0x1d: {  	[tilespmem:s10+$0x0] =	vst v3;
	v2 =	vsel vm15, $0x40, v4  }
0x1e: {  	[tilespmem:s10+$0x400] =	vst v2  }
0x1f: {  	[tilespmem:$0xC00] =	vst v1  }
0x20: {  	[tilespmem:$0xC10] =	vst v1  }
0x21: {  	[tilespmem:$0xC20] =	vst v1  }
0x22: {  	[tilespmem:$0xC30] =	vst v1  }
0x23: {  	[tilespmem:$0xC40] =	vst v1  }
0x24: {  	[tilespmem:$0xC50] =	vst v1  }
0x25: {  	[tilespmem:$0xC60] =	vst v1  }
0x26: {  	s11 =	simm.s32 @p0 $0x800;
	[tilespmem:$0xC70] =	vst v1  }
0x27: {  	s9 =	simm.s32 @p0 $0x400;
	s10 =	simm.s32 @p0 $0x0;
	[bflag:$0x0] =	sbarrier.arrive @p0 $0xFFFF  }
0x28: {  	[spmem:s1] =	stream.indirect.scatter.add.f32 @p0 [tilespmem:s11], [sflag:$0x1], $0x1, s10, s9, $0xb8;
	[tilespmem:$0xC88] =	vst v63  }
0x29: {  	s10 =	simm.s32 @p0 $0x1  }
0x2a: {  	_ =	swait.ge @p0 [sflag:s10], $0x400  }
0x2b: {  	[sflag:s10] =	ssyncset.done @p0 $0x0  }
0x2c: {  	[sflag:s10] =	ssyncadd.s32 @p0 $0xFFFFFC00  }
0x2d: {  	[spmem:s1] =	stream.indirect.scatter.add.f32 @p0 [tilespmem:s11], [sflag:$0x1], $0x1, s9, s9, $0xb8;
	[tilespmem:$0xC88] =	vst v63  }
0x2e: {  	_ =	swait.ge @p0 [sflag:s10], $0x400  }
0x2f: {  	[sflag:s10] =	ssyncset.done @p0 $0x0  }
0x30: {  	[sflag:s10] =	ssyncadd.s32 @p0 $0xFFFFFC00  }
0x31: {  	s9 =	simm.s32 @!p0 $0xC00;
	[bflag:$0x0] =	sbarrier.arrive @p0 $0xFFFF  }
0x32: {  	[spmem:s1] =	stream.linear.scatter @!p0 [tilespmem:s9], [sflag:$0x1], $0x80, $0x38;
	[tilespmem:$0xC88] =	vst v63  }
0x33: {  	s9 =	simm.s32 @!p0 $0x1  }
0x34: {  	_ =	swait.ge @!p0 [sflag:s9], $0x80  }
0x35: {  	[sflag:s9] =	ssyncset.done @!p0 $0x0  }
0x36: {  	s12 =	simm.s32 @!p0 $0x800;
	[sflag:s9] =	ssyncadd.s32 @!p0 $0xFFFFFF80  }
0x37: {  	s11 =	simm.s32 @!p0 $0x0;
	s10 =	simm.s32 @!p0 $0x400;
	[bflag:$0x0] =	sbarrier.arrive @!p0 $0xFFFF  }
0x38: {  	[spmem:s1] =	stream.indirect.scatter.add.f32 @!p0 [tilespmem:s12], [sflag:$0x1], $0x1, s11, s10, $0xb8;
	[tilespmem:$0xC88] =	vst v63  }
0x39: {  	_ =	swait.ge @!p0 [sflag:s9], $0x400  }
0x3a: {  	[sflag:s9] =	ssyncset.done @!p0 $0x0  }
0x3b: {  	[sflag:s9] =	ssyncadd.s32 @!p0 $0xFFFFFC00  }
0x3c: {  	[spmem:s1] =	stream.indirect.scatter.add.f32 @!p0 [tilespmem:s12], [sflag:$0x1], $0x1, s10, s10, $0xb8;
	[tilespmem:$0xC88] =	vst v63  }
0x3d: {  	_ =	swait.ge @!p0 [sflag:s9], $0x400  }
0x3e: {  	s8 =	sadd.s32 $0x1, s8;
	[sflag:s9] =	ssyncset.done @!p0 $0x0  }
0x3f: {  	p1 =	sne.s32 s8, s5;
	[sflag:s9] =	ssyncadd.s32 @!p0 $0xFFFFFC00  }
.Ltmp1:
0x40: {  	s10 =	simm.s32 @!p0 $0x1C01;
	[bflag:$0x0] =	sbarrier.arrive @!p0 $0xFFFF;
	(pc) =	sbr.rel @p1 .LBB2_1-.Ltmp1, $4  }
0x41: {  	[hbm:s4], [sflag:s10] =	dma.local @!p0 [spmem:s7], $0x10  }
0x42: {  	_ =	swait.ge @!p0 [sflag:s9], $0x10  }
0x43: {  	[sflag:s9] =	ssyncset.done @!p0 $0x0  }
0x44: {  	[sflag:s9] =	ssyncadd.s32 @!p0 $0xFFFFFFF0  }
0x45: {  	_ =	sfence.sel $0x180000  }
0x46: {  	[bflag:$0x0] =	sbarrier.arrive $0xFFFF  }
0x47: {  	_ =	strace $0x90000047  }
0x48: {  	s0 =	sadd.s32 @!p0 $0x100000, s0;
	[bflag:$0x2] =	sbarrier.arrive $0xFFFF  }
0x49: {  	[sflag:s0] =	ssyncadd.tile.s32 @!p0 $0x1;
	_ =	shalt  }
.Lfunc_end2:
_tile_overlayer_lowered:
.L_overlay_start_2:
0x4a: {  	(tag) =	ssettag $0x2  }
0x4b: {  	s0 =	rddreg [dreg:$0x0];
	s2 =	stileid.u32  }
0x4c: {  	s1 =	rddreg [dreg:$0x1];
	p0 =	sne.s32 s2, $0x0  }
0x4d: {  	s3 =	rddreg [dreg:$0x2];
	[bflag:$0x3] =	sbarrier.arrive $0xFFFF;
	s2 =	simm.s32 @!p0 $0x1C01  }
0x4e: {  	[timem:s3], [sflag:s2] =	dma.local @!p0 [hbm:s0], s1  }
0x4f: {  	s0 =	simm.s32 @!p0 $0x1  }
0x50: {  	_ =	swait.ge @!p0 [sflag:s0], s1  }
0x51: {  	s1 =	ssub.s32 @!p0 $0x0, s1;
	[sflag:s0] =	ssyncset.done @!p0 $0x0  }
0x52: {  	[sflag:s0] =	ssyncadd.s32 @!p0 s1  }
0x53: {  	[bflag:$0x3] =	sbarrier.arrive $0xFFFF  }
0x54: {  	_ =	shalt  }

</sc_bundles>
